<compile_context>
chip_gen: v7x
topology: tpu7x:2x2x1
jax: 0.10.2.dev20260603
libtpu: 0.0.44.dev20260713+nightly
codegen_flags: <defaults>
</compile_context>

<pallas_src>
import functools

import jax
import jax.numpy as jnp
from jax import lax
from jax.experimental import pallas as pl
from jax.experimental.pallas import tpu as pltpu
from jax.experimental.pallas import tpu_sc as plsc

_N = 1_000_000
_R, _C = 64, 15625
_BR = 64
_NB = _R // _BR

_NC, _NS = 2, 16
_NW = _NC * _NS
_CHUNK = 31248
_WIN = 31312
_NVEC = 1953
_TAIL_VECS = 4

_gumbel_cache = []


def _gumbel():
    if not _gumbel_cache:
        g = jax.random.gumbel(jax.random.key(42), (1, _N), jnp.float32)
        _gumbel_cache.append(jnp.reshape(g, (_N,)))
    return _gumbel_cache[0]


def _sc_body(t_hbm, g_hbm, out_hbm, tv, gv, pv):
    c = lax.axis_index("c")
    s = lax.axis_index("s")
    w = s * _NC + c
    base = w * _CHUNK
    pltpu.sync_copy(t_hbm.at[pl.ds(base, _WIN)], tv)
    pltpu.sync_copy(g_hbm.at[pl.ds(base, _WIN)], gv)

    lanes = lax.iota(jnp.int32, 16)
    neg_inf = jnp.full((16,), -jnp.inf, jnp.float32)
    zero = jnp.zeros((16,), jnp.float32)
    big_i = jnp.full((16,), 2**30, jnp.int32)

    def step(i, k, acc):
        ssum, bv, bt, bi = acc
        x = tv[pl.ds((i + k) * 16, 16)]
        g = gv[pl.ds((i + k) * 16, 16)]
        y = x + g
        idx = (base + (i + k) * 16) + lanes
        upd = y > bv
        return (
            ssum + jnp.exp(x),
            jnp.maximum(y, bv),
            jnp.where(upd, x, bt),
            jnp.where(upd, idx, bi),
        )

    init3 = tuple((zero, neg_inf, zero, big_i) for _ in range(3))

    @plsc.parallel_loop(0, _NVEC, step=3, unroll=2, carry=init3)
    def loop(i, accs):
        return tuple(step(i, k, accs[k]) for k in range(3))

    accs = loop

    def merge(a, b):
        sa, va, ta, ia = a
        sb, vb, tb, ib = b
        upd = (vb > va) | ((vb == va) & (ib < ia))
        return (
            sa + sb,
            jnp.maximum(va, vb),
            jnp.where(upd, tb, ta),
            jnp.where(upd, ib, ia),
        )

    acc = merge(merge(accs[0], accs[1]), accs[2])

    @pl.when(w == _NW - 1)
    def _():
        a = acc
        for k in range(_TAIL_VECS):
            a = step(_NVEC, k, a)
        pv[pl.ds(0, 16)] = a[0]
        pv[pl.ds(16, 16)] = a[1]
        pv[pl.ds(32, 16)] = a[2]
        pv[pl.ds(48, 16)] = a[3].astype(jnp.float32)

    @pl.when(w != _NW - 1)
    def _():
        pv[pl.ds(0, 16)] = acc[0]
        pv[pl.ds(16, 16)] = acc[1]
        pv[pl.ds(32, 16)] = acc[2]
        pv[pl.ds(48, 16)] = acc[3].astype(jnp.float32)

    pltpu.sync_copy(pv, out_hbm.at[w])


_sc_partials_cache = []


def _sc_partials(t1, g1):
    if not _sc_partials_cache:
        _sc_partials_cache.append(
            functools.partial(
                pl.kernel,
                out_type=jax.ShapeDtypeStruct((_NW, 64), jnp.float32),
                mesh=plsc.VectorSubcoreMesh(
                    core_axis_name="c", subcore_axis_name="s",
                    num_cores=_NC, num_subcores=_NS,
                ),
                scratch_types=[
                    pltpu.VMEM((_WIN,), jnp.float32),
                    pltpu.VMEM((_WIN,), jnp.float32),
                    pltpu.VMEM((64,), jnp.float32),
                ],
            )(_sc_body)
        )
    return _sc_partials_cache[0](t1, g1)


def _tc_body(p_ref, t_ref, o_ref):
    P = p_ref[...]
    ssum = P[:, 0:16]
    bv = P[:, 16:32]
    bt = P[:, 32:48]
    bi = P[:, 48:64]
    s_tot = jnp.sum(ssum)
    m = jnp.max(bv)
    at_max = bv == m
    i_star = jnp.min(jnp.where(at_max, bi, jnp.float32(3e38)))
    tval = jnp.sum(jnp.where(at_max & (bi == i_star), bt, 0.0))
    lse = jnp.log(s_tot)
    cadd = tval - 2.0 * lse

    x = t_ref[...]
    o_ref[...] = (x + cadd) + jnp.exp(x - lse)


def _tc_map(partials, t2):
    return pl.pallas_call(
        _tc_body,
        grid=(_NB,),
        in_specs=[
            pl.BlockSpec((_NW, 64), lambda i: (0, 0)),
            pl.BlockSpec((_BR, _C), lambda i: (i, 0)),
        ],
        out_specs=pl.BlockSpec((_BR, _C), lambda i: (i, 0)),
        out_shape=jax.ShapeDtypeStruct((_R, _C), jnp.float32),
    )(partials, t2)


def kernel(t):
    t1 = jnp.reshape(t, (_N,))
    partials = _sc_partials(t1, _gumbel())
    out = _tc_map(partials, jnp.reshape(t, (_R, _C)))
    return jnp.reshape(out, (1, _N))

# --- scband reference (transcript-rebuilt; emitter-appended) ---
"""Pipeline reference for scband-my-model-61933428409944 (READ-ONLY COPY).

The authoritative reference and input builder live on the scoring server;
editing this copy changes nothing except your own understanding.
"""

import jax, jax.numpy as jnp
import numpy as np


def setup_inputs(seed: int = 0) -> dict:
    key = jax.random.key(seed)
    t = jax.random.normal(jax.random.fold_in(key, 0), (1, 1000000), dtype=jnp.float32)
    return {"t": t}


def reference(t):
    # torch.distributions.Categorical(logits=t):
    #   .logits -> logits normalized so logsumexp == 0
    #   .probs  -> softmax(logits)
    #   .sample() -> categorical draw along last dim, shape = batch_shape
    #   .log_prob(sample) -> normalized_logits gathered at sample
    norm_logits = t - jax.scipy.special.logsumexp(t, axis=-1, keepdims=True)
    probs = jnp.exp(norm_logits)
    sample = jax.random.categorical(jax.random.key(42), t, axis=-1)  # int, shape [B]
    log_prob = jnp.take_along_axis(norm_logits, sample[..., None], axis=-1).squeeze(-1)  # [B]
    # broadcast: [B] + [B, V] + [B, V]  (valid here since B == 1)
    a = log_prob + probs + norm_logits
    return a

if __name__ == "__main__":
    import jax
    _d = setup_inputs()
    print(jax.jit(kernel)(*tuple(_d.values())))

</pallas_src>

<mosaic_0001>
#map = affine_map<(d0, d1) -> (0)>
#map1 = affine_map<(d0, d1) -> (0, 0)>
module attributes {stable_mosaic.version = 14 : i64} {
  func.func @_sc_body(%arg0: i32, %arg1: i32, %arg2: memref<1000000xf32, #tpu.memory_space<hbm>>, %arg3: memref<1000000xf32, #tpu.memory_space<hbm>>, %arg4: memref<32x64xf32, #tpu.memory_space<hbm>>, %arg5: memref<31312xf32, #tpu.memory_space<vmem>>, %arg6: memref<31312xf32, #tpu.memory_space<vmem>>, %arg7: memref<64xf32, #tpu.memory_space<vmem>>) attributes {dimension_semantics = [#tpu.dimension_semantics<core_parallel>, #tpu.dimension_semantics<subcore_parallel>], iteration_bounds = array<i64: 2, 16>, scalar_prefetch = 0 : i64, scratch_operands = 3 : i64, tpu.core_type = #tpu.core_type<sc_vector_subcore>, window_params = [{transform_indices = #map}, {transform_indices = #map}, {transform_indices = #map1}]} {
    %mul3A = arith.constant 2 : i32
    %mul3A_0 = arith.muli %arg1, %mul3A : i32
    %add3A = arith.addi %mul3A_0, %arg0 : i32
    %mul3A_1 = arith.constant 31248 : i32
    %mul3A_2 = arith.muli %add3A, %mul3A_1 : i32
    "tpu.region"() ({
      %run_scoped3A = tpu.sem_alloc : memref<!tpu.dma_semaphore, #tpu.memory_space<semaphore_mem>>
      %dma_start3A = tpu.memref_slice %arg2[%mul3A_2] : memref<1000000xf32, #tpu.memory_space<hbm>> -> memref<31312xf32, #tpu.memory_space<hbm>>
      %dma_start3A_29 = tpu.memref_slice %arg2[%mul3A_2] : memref<1000000xf32, #tpu.memory_space<hbm>> -> memref<31312xf32, #tpu.memory_space<hbm>>
      tpu.enqueue_dma source(%dma_start3A_29 : memref<31312xf32, #tpu.memory_space<hbm>>) target(%arg5 : memref<31312xf32, #tpu.memory_space<vmem>>) target_semaphore(%run_scoped3A : memref<!tpu.dma_semaphore, #tpu.memory_space<semaphore_mem>>)
      %dma_wait3A = tpu.memref_slice %arg2[%mul3A_2] : memref<1000000xf32, #tpu.memory_space<hbm>> -> memref<31312xf32, #tpu.memory_space<hbm>>
      %dma_wait3A_30 = tpu.memref_slice %arg2[%mul3A_2] : memref<1000000xf32, #tpu.memory_space<hbm>> -> memref<31312xf32, #tpu.memory_space<hbm>>
      tpu.wait_dma2 semaphore(%run_scoped3A : memref<!tpu.dma_semaphore, #tpu.memory_space<semaphore_mem>>) src(%dma_wait3A_30 : memref<31312xf32, #tpu.memory_space<hbm>>) dst(%arg5 : memref<31312xf32, #tpu.memory_space<vmem>>)
      tpu.yield
    }) : () -> ()
    "tpu.region"() ({
      %run_scoped3A = tpu.sem_alloc : memref<!tpu.dma_semaphore, #tpu.memory_space<semaphore_mem>>
      %dma_start3A = tpu.memref_slice %arg3[%mul3A_2] : memref<1000000xf32, #tpu.memory_space<hbm>> -> memref<31312xf32, #tpu.memory_space<hbm>>
      %dma_start3A_29 = tpu.memref_slice %arg3[%mul3A_2] : memref<1000000xf32, #tpu.memory_space<hbm>> -> memref<31312xf32, #tpu.memory_space<hbm>>
      tpu.enqueue_dma source(%dma_start3A_29 : memref<31312xf32, #tpu.memory_space<hbm>>) target(%arg6 : memref<31312xf32, #tpu.memory_space<vmem>>) target_semaphore(%run_scoped3A : memref<!tpu.dma_semaphore, #tpu.memory_space<semaphore_mem>>)
      %dma_wait3A = tpu.memref_slice %arg3[%mul3A_2] : memref<1000000xf32, #tpu.memory_space<hbm>> -> memref<31312xf32, #tpu.memory_space<hbm>>
      %dma_wait3A_30 = tpu.memref_slice %arg3[%mul3A_2] : memref<1000000xf32, #tpu.memory_space<hbm>> -> memref<31312xf32, #tpu.memory_space<hbm>>
      tpu.wait_dma2 semaphore(%run_scoped3A : memref<!tpu.dma_semaphore, #tpu.memory_space<semaphore_mem>>) src(%dma_wait3A_30 : memref<31312xf32, #tpu.memory_space<hbm>>) dst(%arg6 : memref<31312xf32, #tpu.memory_space<vmem>>)
      tpu.yield
    }) : () -> ()
    %iota3A = tpu.iota {dimensions = array<i32: 0>} : vector<16xi32>
    %broadcast_in_dim3A = arith.constant 0xFF800000 : f32
    %broadcast_in_dim3A_3 = vector.broadcast %broadcast_in_dim3A : f32 to vector<16xf32>
    %broadcast_in_dim3A_4 = arith.constant 0.000000e+00 : f32
    %broadcast_in_dim3A_5 = vector.broadcast %broadcast_in_dim3A_4 : f32 to vector<16xf32>
    %broadcast_in_dim3A_6 = arith.constant 1073741824 : i32
    %broadcast_in_dim3A_7 = vector.broadcast %broadcast_in_dim3A_6 : i32 to vector<16xi32>
    %parallel_loop3A = arith.constant 0 : i32
    %parallel_loop3A_8 = arith.constant 1953 : i32
    %parallel_loop3A_9 = arith.constant 3 : i32
    %parallel_loop3A_10:12 = scf.for %parallel_loop3A_29 = %parallel_loop3A to %parallel_loop3A_8 step %parallel_loop3A_9 iter_args(%parallel_loop3A_30 = %broadcast_in_dim3A_5, %parallel_loop3A_31 = %broadcast_in_dim3A_3, %parallel_loop3A_32 = %broadcast_in_dim3A_5, %parallel_loop3A_33 = %broadcast_in_dim3A_7, %parallel_loop3A_34 = %broadcast_in_dim3A_5, %parallel_loop3A_35 = %broadcast_in_dim3A_3, %parallel_loop3A_36 = %broadcast_in_dim3A_5, %parallel_loop3A_37 = %broadcast_in_dim3A_7, %parallel_loop3A_38 = %broadcast_in_dim3A_5, %parallel_loop3A_39 = %broadcast_in_dim3A_3, %parallel_loop3A_40 = %broadcast_in_dim3A_5, %parallel_loop3A_41 = %broadcast_in_dim3A_7) -> (vector<16xf32>, vector<16xf32>, vector<16xf32>, vector<16xi32>, vector<16xf32>, vector<16xf32>, vector<16xf32>, vector<16xi32>, vector<16xf32>, vector<16xf32>, vector<16xf32>, vector<16xi32>)  : i32 {
      %parallel_loop3A_42 = arith.constant 0 : i32
      %parallel_loop3A_43 = arith.addi %parallel_loop3A_29, %parallel_loop3A_42 : i32
      %parallel_loop3A_44 = arith.constant 16 : i32
      %parallel_loop3A_45 = arith.muli %parallel_loop3A_43, %parallel_loop3A_44 : i32
      %parallel_loop3A_46 = arith.index_cast %parallel_loop3A_45 : i32 to index
      %parallel_loop3A_47 = tpu.vector_load %arg5[%parallel_loop3A_46] {strides = array<i32>} : memref<31312xf32, #tpu.memory_space<vmem>>, vector<16xf32>,
      %parallel_loop3A_48 = vector.shape_cast %parallel_loop3A_47 : vector<16xf32> to vector<16xf32>
      %parallel_loop3A_49 = arith.constant 0 : i32
      %parallel_loop3A_50 = arith.addi %parallel_loop3A_29, %parallel_loop3A_49 : i32
      %parallel_loop3A_51 = arith.constant 16 : i32
      %parallel_loop3A_52 = arith.muli %parallel_loop3A_50, %parallel_loop3A_51 : i32
      %parallel_loop3A_53 = arith.index_cast %parallel_loop3A_52 : i32 to index
      %parallel_loop3A_54 = tpu.vector_load %arg6[%parallel_loop3A_53] {strides = array<i32>} : memref<31312xf32, #tpu.memory_space<vmem>>, vector<16xf32>,
      %parallel_loop3A_55 = vector.shape_cast %parallel_loop3A_54 : vector<16xf32> to vector<16xf32>
      %parallel_loop3A_56 = arith.addf %parallel_loop3A_48, %parallel_loop3A_55 : vector<16xf32>
      %parallel_loop3A_57 = arith.constant 0 : i32
      %parallel_loop3A_58 = arith.addi %parallel_loop3A_29, %parallel_loop3A_57 : i32
      %parallel_loop3A_59 = arith.constant 16 : i32
      %parallel_loop3A_60 = arith.muli %parallel_loop3A_58, %parallel_loop3A_59 : i32
      %parallel_loop3A_61 = arith.addi %mul3A_2, %parallel_loop3A_60 : i32
      %parallel_loop3A_62 = vector.broadcast %parallel_loop3A_61 : i32 to vector<16xi32>
      %parallel_loop3A_63 = arith.addi %parallel_loop3A_62, %iota3A : vector<16xi32>
      %parallel_loop3A_64 = arith.cmpf ogt, %parallel_loop3A_56, %parallel_loop3A_31 : vector<16xf32>
      %parallel_loop3A_65 = math.exp %parallel_loop3A_48 : vector<16xf32>
      %parallel_loop3A_66 = arith.addf %parallel_loop3A_30, %parallel_loop3A_65 : vector<16xf32>
      %parallel_loop3A_67 = arith.maximumf %parallel_loop3A_56, %parallel_loop3A_31 : vector<16xf32>
      %parallel_loop3A_68 = arith.select %parallel_loop3A_64, %parallel_loop3A_48, %parallel_loop3A_32 : vector<16xi1>, vector<16xf32>
      %parallel_loop3A_69 = arith.select %parallel_loop3A_64, %parallel_loop3A_63, %parallel_loop3A_33 : vector<16xi1>, vector<16xi32>
      %parallel_loop3A_70 = arith.constant 1 : i32
      %parallel_loop3A_71 = arith.addi %parallel_loop3A_29, %parallel_loop3A_70 : i32
      %parallel_loop3A_72 = arith.constant 16 : i32
      %parallel_loop3A_73 = arith.muli %parallel_loop3A_71, %parallel_loop3A_72 : i32
      %parallel_loop3A_74 = arith.index_cast %parallel_loop3A_73 : i32 to index
      %parallel_loop3A_75 = tpu.vector_load %arg5[%parallel_loop3A_74] {strides = array<i32>} : memref<31312xf32, #tpu.memory_space<vmem>>, vector<16xf32>,
      %parallel_loop3A_76 = vector.shape_cast %parallel_loop3A_75 : vector<16xf32> to vector<16xf32>
      %parallel_loop3A_77 = arith.constant 1 : i32
      %parallel_loop3A_78 = arith.addi %parallel_loop3A_29, %parallel_loop3A_77 : i32
      %parallel_loop3A_79 = arith.constant 16 : i32
      %parallel_loop3A_80 = arith.muli %parallel_loop3A_78, %parallel_loop3A_79 : i32
      %parallel_loop3A_81 = arith.index_cast %parallel_loop3A_80 : i32 to index
      %parallel_loop3A_82 = tpu.vector_load %arg6[%parallel_loop3A_81] {strides = array<i32>} : memref<31312xf32, #tpu.memory_space<vmem>>, vector<16xf32>,
      %parallel_loop3A_83 = vector.shape_cast %parallel_loop3A_82 : vector<16xf32> to vector<16xf32>
      %parallel_loop3A_84 = arith.addf %parallel_loop3A_76, %parallel_loop3A_83 : vector<16xf32>
      %parallel_loop3A_85 = arith.constant 1 : i32
      %parallel_loop3A_86 = arith.addi %parallel_loop3A_29, %parallel_loop3A_85 : i32
      %parallel_loop3A_87 = arith.constant 16 : i32
      %parallel_loop3A_88 = arith.muli %parallel_loop3A_86, %parallel_loop3A_87 : i32
      %parallel_loop3A_89 = arith.addi %mul3A_2, %parallel_loop3A_88 : i32
      %parallel_loop3A_90 = vector.broadcast %parallel_loop3A_89 : i32 to vector<16xi32>
      %parallel_loop3A_91 = arith.addi %parallel_loop3A_90, %iota3A : vector<16xi32>
      %parallel_loop3A_92 = arith.cmpf ogt, %parallel_loop3A_84, %parallel_loop3A_35 : vector<16xf32>
      %parallel_loop3A_93 = math.exp %parallel_loop3A_76 : vector<16xf32>
      %parallel_loop3A_94 = arith.addf %parallel_loop3A_34, %parallel_loop3A_93 : vector<16xf32>
      %parallel_loop3A_95 = arith.maximumf %parallel_loop3A_84, %parallel_loop3A_35 : vector<16xf32>
      %parallel_loop3A_96 = arith.select %parallel_loop3A_92, %parallel_loop3A_76, %parallel_loop3A_36 : vector<16xi1>, vector<16xf32>
      %parallel_loop3A_97 = arith.select %parallel_loop3A_92, %parallel_loop3A_91, %parallel_loop3A_37 : vector<16xi1>, vector<16xi32>
      %parallel_loop3A_98 = arith.constant 2 : i32
      %parallel_loop3A_99 = arith.addi %parallel_loop3A_29, %parallel_loop3A_98 : i32
      %parallel_loop3A_100 = arith.constant 16 : i32
      %parallel_loop3A_101 = arith.muli %parallel_loop3A_99, %parallel_loop3A_100 : i32
      %parallel_loop3A_102 = arith.index_cast %parallel_loop3A_101 : i32 to index
      %parallel_loop3A_103 = tpu.vector_load %arg5[%parallel_loop3A_102] {strides = array<i32>} : memref<31312xf32, #tpu.memory_space<vmem>>, vector<16xf32>,
      %parallel_loop3A_104 = vector.shape_cast %parallel_loop3A_103 : vector<16xf32> to vector<16xf32>
      %parallel_loop3A_105 = arith.constant 2 : i32
      %parallel_loop3A_106 = arith.addi %parallel_loop3A_29, %parallel_loop3A_105 : i32
      %parallel_loop3A_107 = arith.constant 16 : i32
      %parallel_loop3A_108 = arith.muli %parallel_loop3A_106, %parallel_loop3A_107 : i32
      %parallel_loop3A_109 = arith.index_cast %parallel_loop3A_108 : i32 to index
      %parallel_loop3A_110 = tpu.vector_load %arg6[%parallel_loop3A_109] {strides = array<i32>} : memref<31312xf32, #tpu.memory_space<vmem>>, vector<16xf32>,
      %parallel_loop3A_111 = vector.shape_cast %parallel_loop3A_110 : vector<16xf32> to vector<16xf32>
      %parallel_loop3A_112 = arith.addf %parallel_loop3A_104, %parallel_loop3A_111 : vector<16xf32>
      %parallel_loop3A_113 = arith.constant 2 : i32
      %parallel_loop3A_114 = arith.addi %parallel_loop3A_29, %parallel_loop3A_113 : i32
      %parallel_loop3A_115 = arith.constant 16 : i32
      %parallel_loop3A_116 = arith.muli %parallel_loop3A_114, %parallel_loop3A_115 : i32
      %parallel_loop3A_117 = arith.addi %mul3A_2, %parallel_loop3A_116 : i32
      %parallel_loop3A_118 = vector.broadcast %parallel_loop3A_117 : i32 to vector<16xi32>
      %parallel_loop3A_119 = arith.addi %parallel_loop3A_118, %iota3A : vector<16xi32>
      %parallel_loop3A_120 = arith.cmpf ogt, %parallel_loop3A_112, %parallel_loop3A_39 : vector<16xf32>
      %parallel_loop3A_121 = math.exp %parallel_loop3A_104 : vector<16xf32>
      %parallel_loop3A_122 = arith.addf %parallel_loop3A_38, %parallel_loop3A_121 : vector<16xf32>
      %parallel_loop3A_123 = arith.maximumf %parallel_loop3A_112, %parallel_loop3A_39 : vector<16xf32>
      %parallel_loop3A_124 = arith.select %parallel_loop3A_120, %parallel_loop3A_104, %parallel_loop3A_40 : vector<16xi1>, vector<16xf32>
      %parallel_loop3A_125 = arith.select %parallel_loop3A_120, %parallel_loop3A_119, %parallel_loop3A_41 : vector<16xi1>, vector<16xi32>
      scf.yield %parallel_loop3A_66, %parallel_loop3A_67, %parallel_loop3A_68, %parallel_loop3A_69, %parallel_loop3A_94, %parallel_loop3A_95, %parallel_loop3A_96, %parallel_loop3A_97, %parallel_loop3A_122, %parallel_loop3A_123, %parallel_loop3A_124, %parallel_loop3A_125 : vector<16xf32>, vector<16xf32>, vector<16xf32>, vector<16xi32>, vector<16xf32>, vector<16xf32>, vector<16xf32>, vector<16xi32>, vector<16xf32>, vector<16xf32>, vector<16xf32>, vector<16xi32>
    } {sc.loop_unroll_factor = 2 : i64, sc.parallel_access}
    %gt3A = arith.cmpf ogt, %parallel_loop3A_10#5, %parallel_loop3A_10#1 : vector<16xf32>
    %eq3A = arith.cmpf oeq, %parallel_loop3A_10#5, %parallel_loop3A_10#1 : vector<16xf32>
    %lt3A = arith.cmpi slt, %parallel_loop3A_10#7, %parallel_loop3A_10#3 : vector<16xi32>
    %and3A = arith.andi %eq3A, %lt3A : vector<16xi1>
    %or3A = arith.ori %gt3A, %and3A : vector<16xi1>
    %add3A_11 = arith.addf %parallel_loop3A_10#0, %parallel_loop3A_10#4 : vector<16xf32>
    %max3A = arith.maximumf %parallel_loop3A_10#1, %parallel_loop3A_10#5 : vector<16xf32>
    %select_n3A = arith.select %or3A, %parallel_loop3A_10#6, %parallel_loop3A_10#2 : vector<16xi1>, vector<16xf32>
    %select_n3A_12 = arith.select %or3A, %parallel_loop3A_10#7, %parallel_loop3A_10#3 : vector<16xi1>, vector<16xi32>
    %gt3A_13 = arith.cmpf ogt, %parallel_loop3A_10#9, %max3A : vector<16xf32>
    %eq3A_14 = arith.cmpf oeq, %parallel_loop3A_10#9, %max3A : vector<16xf32>
    %lt3A_15 = arith.cmpi slt, %parallel_loop3A_10#11, %select_n3A_12 : vector<16xi32>
    %and3A_16 = arith.andi %eq3A_14, %lt3A_15 : vector<16xi1>
    %or3A_17 = arith.ori %gt3A_13, %and3A_16 : vector<16xi1>
    %add3A_18 = arith.addf %add3A_11, %parallel_loop3A_10#8 : vector<16xf32>
    %max3A_19 = arith.maximumf %max3A, %parallel_loop3A_10#9 : vector<16xf32>
    %select_n3A_20 = arith.select %or3A_17, %parallel_loop3A_10#10, %select_n3A : vector<16xi1>, vector<16xf32>
    %select_n3A_21 = arith.select %or3A_17, %parallel_loop3A_10#11, %select_n3A_12 : vector<16xi1>, vector<16xi32>
    %eq3A_22 = arith.constant 31 : i32
    %eq3A_23 = arith.cmpi eq, %add3A, %eq3A_22 : i32
    %convert_element_type3A = arith.extui %eq3A_23 : i1 to i32
    %cond3A = arith.constant 0 : i32
    %cond3A_24 = arith.cmpi ne, %convert_element_type3A, %cond3A : i32
    scf.if %cond3A_24 {
      %get3A = arith.constant 31248 : index
      %get3A_29 = tpu.vector_load %arg5[%get3A] {strides = array<i32>} : memref<31312xf32, #tpu.memory_space<vmem>>, vector<16xf32>,
      %get3A_30 = vector.shape_cast %get3A_29 : vector<16xf32> to vector<16xf32>
      %get3A_31 = arith.constant 31248 : index
      %get3A_32 = tpu.vector_load %arg6[%get3A_31] {strides = array<i32>} : memref<31312xf32, #tpu.memory_space<vmem>>, vector<16xf32>,
      %get3A_33 = vector.shape_cast %get3A_32 : vector<16xf32> to vector<16xf32>
      %add3A_34 = arith.addf %get3A_30, %get3A_33 : vector<16xf32>
      %add3A_35 = arith.constant 31248 : i32
      %add3A_36 = arith.addi %mul3A_2, %add3A_35 : i32
      %add3A_37 = vector.broadcast %add3A_36 : i32 to vector<16xi32>
      %add3A_38 = arith.addi %add3A_37, %iota3A : vector<16xi32>
      %gt3A_39 = arith.cmpf ogt, %add3A_34, %max3A_19 : vector<16xf32>
      %exp3A = math.exp %get3A_30 : vector<16xf32>
      %add3A_40 = arith.addf %add3A_18, %exp3A : vector<16xf32>
      %max3A_41 = arith.maximumf %add3A_34, %max3A_19 : vector<16xf32>
      %select_n3A_42 = arith.select %gt3A_39, %get3A_30, %select_n3A_20 : vector<16xi1>, vector<16xf32>
      %select_n3A_43 = arith.select %gt3A_39, %add3A_38, %select_n3A_21 : vector<16xi1>, vector<16xi32>
      %get3A_44 = arith.constant 31264 : index
      %get3A_45 = tpu.vector_load %arg5[%get3A_44] {strides = array<i32>} : memref<31312xf32, #tpu.memory_space<vmem>>, vector<16xf32>,
      %get3A_46 = vector.shape_cast %get3A_45 : vector<16xf32> to vector<16xf32>
      %get3A_47 = arith.constant 31264 : index
      %get3A_48 = tpu.vector_load %arg6[%get3A_47] {strides = array<i32>} : memref<31312xf32, #tpu.memory_space<vmem>>, vector<16xf32>,
      %get3A_49 = vector.shape_cast %get3A_48 : vector<16xf32> to vector<16xf32>
      %add3A_50 = arith.addf %get3A_46, %get3A_49 : vector<16xf32>
      %add3A_51 = arith.constant 31264 : i32
      %add3A_52 = arith.addi %mul3A_2, %add3A_51 : i32
      %add3A_53 = vector.broadcast %add3A_52 : i32 to vector<16xi32>
      %add3A_54 = arith.addi %add3A_53, %iota3A : vector<16xi32>
      %gt3A_55 = arith.cmpf ogt, %add3A_50, %max3A_41 : vector<16xf32>
      %exp3A_56 = math.exp %get3A_46 : vector<16xf32>
      %add3A_57 = arith.addf %add3A_40, %exp3A_56 : vector<16xf32>
      %max3A_58 = arith.maximumf %add3A_50, %max3A_41 : vector<16xf32>
      %select_n3A_59 = arith.select %gt3A_55, %get3A_46, %select_n3A_42 : vector<16xi1>, vector<16xf32>
      %select_n3A_60 = arith.select %gt3A_55, %add3A_54, %select_n3A_43 : vector<16xi1>, vector<16xi32>
      %get3A_61 = arith.constant 31280 : index
      %get3A_62 = tpu.vector_load %arg5[%get3A_61] {strides = array<i32>} : memref<31312xf32, #tpu.memory_space<vmem>>, vector<16xf32>,
      %get3A_63 = vector.shape_cast %get3A_62 : vector<16xf32> to vector<16xf32>
      %get3A_64 = arith.constant 31280 : index
      %get3A_65 = tpu.vector_load %arg6[%get3A_64] {strides = array<i32>} : memref<31312xf32, #tpu.memory_space<vmem>>, vector<16xf32>,
      %get3A_66 = vector.shape_cast %get3A_65 : vector<16xf32> to vector<16xf32>
      %add3A_67 = arith.addf %get3A_63, %get3A_66 : vector<16xf32>
      %add3A_68 = arith.constant 31280 : i32
      %add3A_69 = arith.addi %mul3A_2, %add3A_68 : i32
      %add3A_70 = vector.broadcast %add3A_69 : i32 to vector<16xi32>
      %add3A_71 = arith.addi %add3A_70, %iota3A : vector<16xi32>
      %gt3A_72 = arith.cmpf ogt, %add3A_67, %max3A_58 : vector<16xf32>
      %exp3A_73 = math.exp %get3A_63 : vector<16xf32>
      %add3A_74 = arith.addf %add3A_57, %exp3A_73 : vector<16xf32>
      %max3A_75 = arith.maximumf %add3A_67, %max3A_58 : vector<16xf32>
      %select_n3A_76 = arith.select %gt3A_72, %get3A_63, %select_n3A_59 : vector<16xi1>, vector<16xf32>
      %select_n3A_77 = arith.select %gt3A_72, %add3A_71, %select_n3A_60 : vector<16xi1>, vector<16xi32>
      %get3A_78 = arith.constant 31296 : index
      %get3A_79 = tpu.vector_load %arg5[%get3A_78] {strides = array<i32>} : memref<31312xf32, #tpu.memory_space<vmem>>, vector<16xf32>,
      %get3A_80 = vector.shape_cast %get3A_79 : vector<16xf32> to vector<16xf32>
      %get3A_81 = arith.constant 31296 : index
      %get3A_82 = tpu.vector_load %arg6[%get3A_81] {strides = array<i32>} : memref<31312xf32, #tpu.memory_space<vmem>>, vector<16xf32>,
      %get3A_83 = vector.shape_cast %get3A_82 : vector<16xf32> to vector<16xf32>
      %add3A_84 = arith.addf %get3A_80, %get3A_83 : vector<16xf32>
      %add3A_85 = arith.constant 31296 : i32
      %add3A_86 = arith.addi %mul3A_2, %add3A_85 : i32
      %add3A_87 = vector.broadcast %add3A_86 : i32 to vector<16xi32>
      %add3A_88 = arith.addi %add3A_87, %iota3A : vector<16xi32>
      %gt3A_89 = arith.cmpf ogt, %add3A_84, %max3A_75 : vector<16xf32>
      %exp3A_90 = math.exp %get3A_80 : vector<16xf32>
      %add3A_91 = arith.addf %add3A_74, %exp3A_90 : vector<16xf32>
      %max3A_92 = arith.maximumf %add3A_84, %max3A_75 : vector<16xf32>
      %select_n3A_93 = arith.select %gt3A_89, %get3A_80, %select_n3A_76 : vector<16xi1>, vector<16xf32>
      %select_n3A_94 = arith.select %gt3A_89, %add3A_88, %select_n3A_77 : vector<16xi1>, vector<16xi32>
      %swap3A = arith.constant 0 : index
      %swap3A_95 = tpu.vector_load %arg7[%swap3A] {strides = array<i32>} : memref<64xf32, #tpu.memory_space<vmem>>, vector<16xf32>,
      %swap3A_96 = vector.shape_cast %swap3A_95 : vector<16xf32> to vector<16xf32>
      %swap3A_97 = vector.shape_cast %add3A_91 : vector<16xf32> to vector<16xf32>
      tpu.vector_store %arg7[%swap3A], %swap3A_97 {strides = array<i32>} : memref<64xf32, #tpu.memory_space<vmem>>, vector<16xf32>,
      %swap3A_98 = arith.constant 16 : index
      %swap3A_99 = tpu.vector_load %arg7[%swap3A_98] {strides = array<i32>} : memref<64xf32, #tpu.memory_space<vmem>>, vector<16xf32>,
      %swap3A_100 = vector.shape_cast %swap3A_99 : vector<16xf32> to vector<16xf32>
      %swap3A_101 = vector.shape_cast %max3A_92 : vector<16xf32> to vector<16xf32>
      tpu.vector_store %arg7[%swap3A_98], %swap3A_101 {strides = array<i32>} : memref<64xf32, #tpu.memory_space<vmem>>, vector<16xf32>,
      %swap3A_102 = arith.constant 32 : index
      %swap3A_103 = tpu.vector_load %arg7[%swap3A_102] {strides = array<i32>} : memref<64xf32, #tpu.memory_space<vmem>>, vector<16xf32>,
      %swap3A_104 = vector.shape_cast %swap3A_103 : vector<16xf32> to vector<16xf32>
      %swap3A_105 = vector.shape_cast %select_n3A_93 : vector<16xf32> to vector<16xf32>
      tpu.vector_store %arg7[%swap3A_102], %swap3A_105 {strides = array<i32>} : memref<64xf32, #tpu.memory_space<vmem>>, vector<16xf32>,
      %convert_element_type3A_106 = arith.sitofp %select_n3A_94 : vector<16xi32> to vector<16xf32>
      %swap3A_107 = arith.constant 48 : index
      %swap3A_108 = tpu.vector_load %arg7[%swap3A_107] {strides = array<i32>} : memref<64xf32, #tpu.memory_space<vmem>>, vector<16xf32>,
      %swap3A_109 = vector.shape_cast %swap3A_108 : vector<16xf32> to vector<16xf32>
      %swap3A_110 = vector.shape_cast %convert_element_type3A_106 : vector<16xf32> to vector<16xf32>
      tpu.vector_store %arg7[%swap3A_107], %swap3A_110 {strides = array<i32>} : memref<64xf32, #tpu.memory_space<vmem>>, vector<16xf32>,
    } else {
    }
    %ne3A = arith.constant 31 : i32
    %ne3A_25 = arith.cmpi ne, %add3A, %ne3A : i32
    %convert_element_type3A_26 = arith.extui %ne3A_25 : i1 to i32
    %cond3A_27 = arith.constant 0 : i32
    %cond3A_28 = arith.cmpi ne, %convert_element_type3A_26, %cond3A_27 : i32
    scf.if %cond3A_28 {
      %swap3A = arith.constant 0 : index
      %swap3A_29 = tpu.vector_load %arg7[%swap3A] {strides = array<i32>} : memref<64xf32, #tpu.memory_space<vmem>>, vector<16xf32>,
      %swap3A_30 = vector.shape_cast %swap3A_29 : vector<16xf32> to vector<16xf32>
      %swap3A_31 = vector.shape_cast %add3A_18 : vector<16xf32> to vector<16xf32>
      tpu.vector_store %arg7[%swap3A], %swap3A_31 {strides = array<i32>} : memref<64xf32, #tpu.memory_space<vmem>>, vector<16xf32>,
      %swap3A_32 = arith.constant 16 : index
      %swap3A_33 = tpu.vector_load %arg7[%swap3A_32] {strides = array<i32>} : memref<64xf32, #tpu.memory_space<vmem>>, vector<16xf32>,
      %swap3A_34 = vector.shape_cast %swap3A_33 : vector<16xf32> to vector<16xf32>
      %swap3A_35 = vector.shape_cast %max3A_19 : vector<16xf32> to vector<16xf32>
      tpu.vector_store %arg7[%swap3A_32], %swap3A_35 {strides = array<i32>} : memref<64xf32, #tpu.memory_space<vmem>>, vector<16xf32>,
      %swap3A_36 = arith.constant 32 : index
      %swap3A_37 = tpu.vector_load %arg7[%swap3A_36] {strides = array<i32>} : memref<64xf32, #tpu.memory_space<vmem>>, vector<16xf32>,
      %swap3A_38 = vector.shape_cast %swap3A_37 : vector<16xf32> to vector<16xf32>
      %swap3A_39 = vector.shape_cast %select_n3A_20 : vector<16xf32> to vector<16xf32>
      tpu.vector_store %arg7[%swap3A_36], %swap3A_39 {strides = array<i32>} : memref<64xf32, #tpu.memory_space<vmem>>, vector<16xf32>,
      %convert_element_type3A_40 = arith.sitofp %select_n3A_21 : vector<16xi32> to vector<16xf32>
      %swap3A_41 = arith.constant 48 : index
      %swap3A_42 = tpu.vector_load %arg7[%swap3A_41] {strides = array<i32>} : memref<64xf32, #tpu.memory_space<vmem>>, vector<16xf32>,
      %swap3A_43 = vector.shape_cast %swap3A_42 : vector<16xf32> to vector<16xf32>
      %swap3A_44 = vector.shape_cast %convert_element_type3A_40 : vector<16xf32> to vector<16xf32>
      tpu.vector_store %arg7[%swap3A_41], %swap3A_44 {strides = array<i32>} : memref<64xf32, #tpu.memory_space<vmem>>, vector<16xf32>,
    } else {
    }
    "tpu.region"() ({
      %run_scoped3A = tpu.sem_alloc : memref<!tpu.dma_semaphore, #tpu.memory_space<semaphore_mem>>
      %dma_start3A = arith.constant 0 : i32
      %dma_start3A_29 = tpu.memref_slice %arg4[%add3A, %dma_start3A] : memref<32x64xf32, #tpu.memory_space<hbm>> -> memref<1x64xf32, #tpu.memory_space<hbm>>
      %dma_start3A_30 = tpu.memref_squeeze %dma_start3A_29 : memref<1x64xf32, #tpu.memory_space<hbm>> -> memref<64xf32, #tpu.memory_space<hbm>>
      %dma_start3A_31 = arith.constant 0 : i32
      %dma_start3A_32 = tpu.memref_slice %arg4[%add3A, %dma_start3A_31] : memref<32x64xf32, #tpu.memory_space<hbm>> -> memref<1x64xf32, #tpu.memory_space<hbm>>
      %dma_start3A_33 = tpu.memref_squeeze %dma_start3A_32 : memref<1x64xf32, #tpu.memory_space<hbm>> -> memref<64xf32, #tpu.memory_space<hbm>>
      tpu.enqueue_dma source(%arg7 : memref<64xf32, #tpu.memory_space<vmem>>) target(%dma_start3A_33 : memref<64xf32, #tpu.memory_space<hbm>>) target_semaphore(%run_scoped3A : memref<!tpu.dma_semaphore, #tpu.memory_space<semaphore_mem>>)
      %dma_wait3A = arith.constant 0 : i32
      %dma_wait3A_34 = tpu.memref_slice %arg4[%add3A, %dma_wait3A] : memref<32x64xf32, #tpu.memory_space<hbm>> -> memref<1x64xf32, #tpu.memory_space<hbm>>
      %dma_wait3A_35 = tpu.memref_squeeze %dma_wait3A_34 : memref<1x64xf32, #tpu.memory_space<hbm>> -> memref<64xf32, #tpu.memory_space<hbm>>
      %dma_wait3A_36 = arith.constant 0 : i32
      %dma_wait3A_37 = tpu.memref_slice %arg4[%add3A, %dma_wait3A_36] : memref<32x64xf32, #tpu.memory_space<hbm>> -> memref<1x64xf32, #tpu.memory_space<hbm>>
      %dma_wait3A_38 = tpu.memref_squeeze %dma_wait3A_37 : memref<1x64xf32, #tpu.memory_space<hbm>> -> memref<64xf32, #tpu.memory_space<hbm>>
      tpu.wait_dma2 semaphore(%run_scoped3A : memref<!tpu.dma_semaphore, #tpu.memory_space<semaphore_mem>>) src(%arg7 : memref<64xf32, #tpu.memory_space<vmem>>) dst(%dma_wait3A_38 : memref<64xf32, #tpu.memory_space<hbm>>)
      tpu.yield
    }) : () -> ()
    return
  }
}

module attributes {stable_mosaic.version = 14 : i64} {
  func.func @_tc_body(%arg0: i32, %arg1: memref<32x64xf32, #tpu.memory_space<vmem>>, %arg2: memref<64x15625xf32, #tpu.memory_space<vmem>>, %arg3: memref<64x15625xf32, #tpu.memory_space<vmem>>) attributes {dimension_semantics = [#tpu.dimension_semantics<arbitrary>], iteration_bounds = array<i64: 1>, scalar_prefetch = 0 : i64, scratch_operands = 0 : i64, tpu.core_type = #tpu.core_type<tc>, window_params = [{pipeline_mode = #tpu.pipeline_mode<synchronous>, transform_indices = @transform_0, window_bounds = array<i64: 32, 64>}, {transform_indices = @transform_1, window_bounds = array<i64: 64, 15625>}, {transform_indices = @transform_2, window_bounds = array<i64: 64, 15625>}]} {
    %get3A = arith.constant 0 : index
    %get3A_0 = arith.constant 0 : index
    %get3A_1 = vector.load %arg1[%get3A, %get3A_0] : memref<32x64xf32, #tpu.memory_space<vmem>>, vector<32x64xf32>
    %slice3A = vector.extract_strided_slice %get3A_1 {offsets = [0, 0], sizes = [32, 16], strides = [1, 1]} : vector<32x64xf32> to vector<32x16xf32>
    %slice3A_2 = vector.extract_strided_slice %get3A_1 {offsets = [0, 16], sizes = [32, 16], strides = [1, 1]} : vector<32x64xf32> to vector<32x16xf32>
    %slice3A_3 = vector.extract_strided_slice %get3A_1 {offsets = [0, 32], sizes = [32, 16], strides = [1, 1]} : vector<32x64xf32> to vector<32x16xf32>
    %slice3A_4 = vector.extract_strided_slice %get3A_1 {offsets = [0, 48], sizes = [32, 16], strides = [1, 1]} : vector<32x64xf32> to vector<32x16xf32>
    %reduce_sum3A = vector.shape_cast %slice3A : vector<32x16xf32> to vector<1x32x16xf32>
    %reduce_sum3A_5 = arith.constant dense<0.000000e+00> : vector<1xf32>
    %reduce_sum3A_6 = vector.multi_reduction <add>, %reduce_sum3A, %reduce_sum3A_5 [1, 2] : vector<1x32x16xf32> to vector<1xf32>
    %reduce_sum3A_7 = vector.shape_cast %reduce_sum3A_6 : vector<1xf32> to vector<1x1x1xf32>
    %reduce_sum3A_8 = vector.extract %reduce_sum3A_7[0, 0, 0] : f32 from vector<1x1x1xf32>
    %reduce_max3A = vector.shape_cast %slice3A_2 : vector<32x16xf32> to vector<1x32x16xf32>
    %reduce_max3A_9 = arith.constant dense<0xFF800000> : vector<1xf32>
    %reduce_max3A_10 = vector.multi_reduction <maximumf>, %reduce_max3A, %reduce_max3A_9 [1, 2] : vector<1x32x16xf32> to vector<1xf32>
    %reduce_max3A_11 = vector.shape_cast %reduce_max3A_10 : vector<1xf32> to vector<1x1x1xf32>
    %reduce_max3A_12 = vector.extract %reduce_max3A_11[0, 0, 0] : f32 from vector<1x1x1xf32>
    %eq3A = vector.broadcast %reduce_max3A_12 : f32 to vector<32x16xf32>
    %eq3A_13 = arith.cmpf oeq, %slice3A_2, %eq3A : vector<32x16xf32>
    %jit3A = arith.constant 3.000000e+38 : f32
    %broadcast_in_dim3A = vector.broadcast %jit3A : f32 to vector<32x16xf32>
    %select_n3A = arith.select %eq3A_13, %slice3A_4, %broadcast_in_dim3A : vector<32x16xi1>, vector<32x16xf32>
    %reduce_min3A = vector.shape_cast %select_n3A : vector<32x16xf32> to vector<1x32x16xf32>
    %reduce_min3A_14 = arith.constant dense<0x7F800000> : vector<1xf32>
    %reduce_min3A_15 = vector.multi_reduction <minimumf>, %reduce_min3A, %reduce_min3A_14 [1, 2] : vector<1x32x16xf32> to vector<1xf32>
    %reduce_min3A_16 = vector.shape_cast %reduce_min3A_15 : vector<1xf32> to vector<1x1x1xf32>
    %reduce_min3A_17 = vector.extract %reduce_min3A_16[0, 0, 0] : f32 from vector<1x1x1xf32>
    %eq3A_18 = vector.broadcast %reduce_min3A_17 : f32 to vector<32x16xf32>
    %eq3A_19 = arith.cmpf oeq, %slice3A_4, %eq3A_18 : vector<32x16xf32>
    %and3A = arith.andi %eq3A_13, %eq3A_19 : vector<32x16xi1>
    %jit3A_20 = arith.constant 0.000000e+00 : f32
    %broadcast_in_dim3A_21 = vector.broadcast %jit3A_20 : f32 to vector<32x16xf32>
    %select_n3A_22 = arith.select %and3A, %slice3A_3, %broadcast_in_dim3A_21 : vector<32x16xi1>, vector<32x16xf32>
    %reduce_sum3A_23 = vector.shape_cast %select_n3A_22 : vector<32x16xf32> to vector<1x32x16xf32>
    %reduce_sum3A_24 = arith.constant dense<0.000000e+00> : vector<1xf32>
    %reduce_sum3A_25 = vector.multi_reduction <add>, %reduce_sum3A_23, %reduce_sum3A_24 [1, 2] : vector<1x32x16xf32> to vector<1xf32>
    %reduce_sum3A_26 = vector.shape_cast %reduce_sum3A_25 : vector<1xf32> to vector<1x1x1xf32>
    %reduce_sum3A_27 = vector.extract %reduce_sum3A_26[0, 0, 0] : f32 from vector<1x1x1xf32>
    %log3A = math.log %reduce_sum3A_8 : f32
    %mul3A = arith.constant 2.000000e+00 : f32
    %mul3A_28 = arith.mulf %mul3A, %log3A : f32
    %sub3A = arith.subf %reduce_sum3A_27, %mul3A_28 : f32
    %get3A_29 = arith.constant 0 : index
    %get3A_30 = arith.constant 0 : index
    %get3A_31 = vector.load %arg2[%get3A_29, %get3A_30] : memref<64x15625xf32, #tpu.memory_space<vmem>>, vector<64x15625xf32>
    %add3A = vector.broadcast %sub3A : f32 to vector<64x15625xf32>
    %add3A_32 = arith.addf %get3A_31, %add3A : vector<64x15625xf32>
    %sub3A_33 = vector.broadcast %log3A : f32 to vector<64x15625xf32>
    %sub3A_34 = arith.subf %get3A_31, %sub3A_33 : vector<64x15625xf32>
    %exp3A = math.exp %sub3A_34 : vector<64x15625xf32>
    %add3A_35 = arith.addf %add3A_32, %exp3A : vector<64x15625xf32>
    %swap3A = arith.constant 0 : index
    %swap3A_36 = arith.constant 0 : index
    %swap3A_37 = vector.load %arg3[%swap3A, %swap3A_36] : memref<64x15625xf32, #tpu.memory_space<vmem>>, vector<64x15625xf32>
    tpu.vector_store %arg3[%swap3A, %swap3A_36], %add3A_35 {strides = array<i32>} : memref<64x15625xf32, #tpu.memory_space<vmem>>, vector<64x15625xf32>,
    return
  }
  func.func @transform_0(%arg0: i32) -> (i32, i32) {
    %c0_i32 = arith.constant 0 : i32
    %c0_i32_0 = arith.constant 0 : i32
    %c0_i32_1 = arith.constant 0 : i32
    return %c0_i32, %c0_i32_0 : i32, i32
  }
  func.func @transform_1(%arg0: i32) -> (i32, i32) {
    %c0_i32 = arith.constant 0 : i32
    %c0_i32_0 = arith.constant 0 : i32
    return %arg0, %c0_i32 : i32, i32
  }
  func.func @transform_2(%arg0: i32) -> (i32, i32) {
    %c0_i32 = arith.constant 0 : i32
    %c0_i32_0 = arith.constant 0 : i32
    return %arg0, %c0_i32 : i32, i32
  }
}

</mosaic_0001>

<sc_bundles>
// kernel: kernel.4.cloned.1.call-start
scs
__scs_entry_jumppad:
0x0: {  	(pc) =	sbr.rel $0x88, $3  }
0x1: {  	(tag) =	ssettag $0x0;
	lr =	simm.s32 $0x1  }
0x2: {  	[smem:$0x3FA0] =	sst lr;
	_ =	strace $0xD0000000  }
0x3: {  	_ = 	snop  }
0x4: {  	_ = 	snop  }
0x5: {  	_ = 	snop  }
0x6: {  	_ = 	snop  }
0x7: {  	_ = 	snop  }
__scs_overlays_trampoline_lowered:
0x8: {  	[smem:$0x3FAF] =	sst s0  }
0x9: {  	[smem:$0x3FB0] =	sst s1  }
0xa: {  	[smem:$0x3FB1] =	sst s2  }
0xb: {  	[smem:$0x3FB2] =	sst s3  }
0xc: {  	[smem:$0x3FB3] =	sst s4  }
0xd: {  	[smem:$0x3FB4] =	sst s5  }
0xe: {  	[smem:$0x3FB5] =	sst s6  }
0xf: {  	[smem:$0x3FB6] =	sst s7  }
0x10: {  	[smem:$0x3FB7] =	sst s8  }
0x11: {  	[smem:$0x3FB8] =	sst s9;
	s0 =	simm.s32 @!p0 $0x0  }
0x12: {  	s1 =	sld [smem:$0x3F9E];
	s0 =	simm.s32 @p0 $0x1  }
0x13: {  	[smem:$0x3FB9] =	sst s0;
	s0 =	simm.s32 @!p1 $0x0  }
0x14: {  	s2 =	sld [smem:$0x3F9D];
	s0 =	simm.s32 @p1 $0x1  }
0x15: {  	[smem:$0x3FBA] =	sst s0;
	s0 =	simm.s32 @!p2 $0x0  }
0x16: {  	s3 =	sld [smem:$0x3FDB];
	s0 =	simm.s32 @p2 $0x1  }
0x17: {  	s4 =	simm.s32 $0x1BF5;
	[smem:$0x3FBC] =	sst s0  }
0x18: {  	s0 =	sld [smem:$0x3F9F];
	_ =	swait.ge [sflag:s4], $0x0  }
0x19: {  	s7 =	sld [smem:$0x3FA0]  }
0x1a: {  	s8 =	sadd.s32 $0xFFFFE003, lr  }
0x1b: {  	s9 =	sadd.s32 $0xFFFFFEF7, lr;
	s5 =	simm.s32 $0xFFFFFFFF;
	p2 =	slt.u32 s8, $0xFFFFF086  }
0x1c: {  	p1 =	slt.u32 s9, $0xF7A;
	s5 =	simm.s32 @!p2 $0x0  }
0x1d: {  	s5 =	simm.s32 @p1 $0x1;
	p0 =	seq.s32 s7, s2  }
0x1e: {  	s7 =	smul.u32 @!p0 $0xF7A, s2;
	p2 =	seq.s32 @!p0 s5, $0x0  }
0x1f: {  	s9 =	smul.u32 $0xF7A, s1;
	s8 =	simm.s32 @!p0 $0x1BF5;
	p2 =	por !p2, p0  }
0x20: {  	[sflag:s8] =	ssyncset.s32 @!p0 $0xFFFFF086;
	s6 =	sadd.s32 @!p0 s3, s7;
	s7 =	simm.s32 @!p0 $0x108  }
0x21: {  	s3 =	sadd.s32 s3, s9;
	s6 =	sadd.s32 @!p0 $0x88, s6;
	s7 =	simm.s32 @p2 $0x1082  }
0x22: {  	[simem:s7], [sflag:s8] =	dma.local @!p0 [hbm:s6], $0xF7A  }
0x23: {  	s9 =	sor.u32 $0xD0000000, s2;
	s6 =	simm.s32 $0x108;
	_ =	swait.ge @!p0 [sflag:s8], $0x0  }
0x24: {  	s3 =	sadd.s32 $0x88, s3;
	s6 =	simm.s32 @!p1 $0x1082;
	[sflag:s4] =	ssyncset.s32 $0xFFFFF086  }
0x25: {  	[simem:s6], [sflag:s4] =	dma.local [hbm:s3], $0xF7A  }
0x26: {  	[smem:$0x3FA0] =	sst s1;
	(tag) =	ssettag s2;
	_ =	strace s9  }
0x27: {  	s1 =	sld [smem:$0x3FB0]  }
0x28: {  	s2 =	sld [smem:$0x3FB1]  }
0x29: {  	s4 =	sld [smem:$0x3FB3]  }
0x2a: {  	p0 =	seq.s32 s5, $0x0;
	s5 =	sld [smem:$0x3FB4]  }
0x2b: {  	s6 =	sld [smem:$0x3FB5]  }
0x2c: {  	s7 =	sld [smem:$0x3FB6]  }
0x2d: {  	s3 =	simm.s32 $0x108;
	s8 =	sld [smem:$0x3FB7]  }
0x2e: {  	s3 =	simm.s32 @!p0 $0x1082;
	s9 =	sld [smem:$0x3FB8]  }
0x2f: {  	lr =	sadd.s32 s0, s3;
	s0 =	sld [smem:$0x3FAF]  }
0x30: {  	s3 =	sld [smem:$0x3FB2]  }
0x31: {  	[smem:$0x3FBB] =	sst s10  }
0x32: {  	s10 =	sld [smem:$0x3FB9];
	_ =	sdelay $0x3  }
0x33: {  	p0 =	seq.s32 s10, $0x1;
	s10 =	sld [smem:$0x3FBB];
	_ =	sdelay $0x3  }
0x34: {  	[smem:$0x3FBB] =	sst s10  }
0x35: {  	s10 =	sld [smem:$0x3FBA];
	_ =	sdelay $0x3  }
0x36: {  	p1 =	seq.s32 s10, $0x1;
	s10 =	sld [smem:$0x3FBB];
	_ =	sdelay $0x3  }
0x37: {  	[smem:$0x3FBB] =	sst s10  }
0x38: {  	s10 =	sld [smem:$0x3FBC]  }
0x39: {  	_ = 	snop;
	(pc) =	sbr.ind lr, $3  }
0x3a: {  	_ = 	snop  }
0x3b: {  	_ = 	snop  }
0x3c: {  	p2 =	seq.s32 s10, $0x1;
	s10 =	sld [smem:$0x3FBB]  }
0x3d: {  	_ =	shalt  }
0x3e: {  	_ =	shalt  }
0x3f: {  	_ =	shalt  }
0x40: {  	_ =	shalt  }
0x41: {  	_ =	shalt  }
0x42: {  	_ =	shalt  }
0x43: {  	_ =	shalt  }
0x44: {  	_ =	shalt  }
0x45: {  	_ =	shalt  }
0x46: {  	_ =	shalt  }
0x47: {  	_ =	shalt  }
0x48: {  	_ =	shalt  }
0x49: {  	_ =	shalt  }
0x4a: {  	_ =	shalt  }
0x4b: {  	_ =	shalt  }
0x4c: {  	_ =	shalt  }
0x4d: {  	_ =	shalt  }
0x4e: {  	_ =	shalt  }
0x4f: {  	_ =	shalt  }
0x50: {  	_ =	shalt  }
0x51: {  	_ =	shalt  }
0x52: {  	_ =	shalt  }
0x53: {  	_ =	shalt  }
0x54: {  	_ =	shalt  }
0x55: {  	_ =	shalt  }
0x56: {  	_ =	shalt  }
0x57: {  	_ =	shalt  }
0x58: {  	_ =	shalt  }
0x59: {  	_ =	shalt  }
0x5a: {  	_ =	shalt  }
0x5b: {  	_ =	shalt  }
0x5c: {  	_ =	shalt  }
0x5d: {  	_ =	shalt  }
0x5e: {  	_ =	shalt  }
0x5f: {  	_ =	shalt  }
0x60: {  	_ =	shalt  }
0x61: {  	_ =	shalt  }
0x62: {  	_ =	shalt  }
0x63: {  	_ =	shalt  }
0x64: {  	_ =	shalt  }
0x65: {  	_ =	shalt  }
0x66: {  	_ =	shalt  }
0x67: {  	_ =	shalt  }
0x68: {  	_ =	shalt  }
0x69: {  	_ =	shalt  }
0x6a: {  	_ =	shalt  }
0x6b: {  	_ =	shalt  }
0x6c: {  	_ =	shalt  }
0x6d: {  	_ =	shalt  }
0x6e: {  	_ =	shalt  }
0x6f: {  	_ =	shalt  }
0x70: {  	_ =	shalt  }
0x71: {  	_ =	shalt  }
0x72: {  	_ =	shalt  }
0x73: {  	_ =	shalt  }
0x74: {  	_ =	shalt  }
0x75: {  	_ =	shalt  }
0x76: {  	_ =	shalt  }
0x77: {  	_ =	shalt  }
0x78: {  	_ =	shalt  }
0x79: {  	_ =	shalt  }
0x7a: {  	_ =	shalt  }
0x7b: {  	_ =	shalt  }
0x7c: {  	_ =	shalt  }
0x7d: {  	_ =	shalt  }
0x7e: {  	_ =	shalt  }
0x7f: {  	_ =	shalt  }
0x80: {  	_ =	shalt  }
0x81: {  	_ =	shalt  }
0x82: {  	_ =	shalt  }
0x83: {  	_ =	shalt  }
0x84: {  	_ =	shalt  }
0x85: {  	_ =	shalt  }
0x86: {  	_ =	shalt  }
0x87: {  	_ =	shalt  }
.Lfunc_end0:
.L_simem_size_0:
called_computation_lowered:
.L_overlay_start_0:
0x88: {  	s2 =	sld [smem:$0x3FD9]  }
0x89: {  	s3 =	sld [smem:$0x3FFE];
	_ =	sdelay $0x1  }
0x8a: {  	s1 =	srdreg.scid  }
0x8b: {  	s0 =	sand.u32 $0x1, s1  }
0x8c: {  	s17 =	sshll.u32 s0, $0xA;
	s2 =	sadd.s32 s3, s2  }
0x8d: {  	s2 =	sadd.s32 s2, s17  }
0x8e: {  	[smem:$0x3FC7] =	sst s2  }
0x8f: {  	_ = 	snop  }
0x90: {  	s2 =	sld [smem:$0x3FD0];
	(tm) =	ssettm $0x1  }
0x91: {  	s18 =	sld [smem:$0x3FFB];
	_ =	sdelay $0x3  }
0x92: {  	_ =	strace s18  }
0x93: {  	s3 =	sld [smem:$0x3FFC];
	_ =	sdelay $0x3  }
0x94: {  	_ =	strace s3  }
0x95: {  	s3 =	sld [smem:$0x3FFD];
	_ =	sdelay $0x3  }
0x96: {  	_ =	strace s3  }
0x97: {  	_ =	strace $0x8FFFFFFF  }
0x98: {  	s19 =	sld [smem:$0x3FDB];
	_ =	sdelay $0x1  }
0x99: {  	s4 =	simm.s32 $_scs_section_size  }
0x9a: {  	s5 =	simm.s32 $_size__tile_overlayer_lowered;
	s6 =	simm.s32 $_tile_overlayer_lowered  }
0x9b: {  	s22 =	simm.s32 $0x1BFF;
	s21 =	sshll.u32 s6, $0x1;
	s3 =	sadd.s32 s4, s19  }
0x9c: {  	s7 =	simm.s32 $0x0;
	s20 =	sshll.u32 s5, $0x1;
	s5 =	sadd.s32 s21, s3  }
0x9d: {  	[timem:s7], [sflag:s22] =	dma.local [hbm:s5], s20  }
0x9e: {  	_ =	swait.ge [sflag:s22], s20  }
0x9f: {  	s4 =	ssub.s32 $0x0, s20;
	[sflag:s22] =	ssyncset.done $0x0  }
0xa0: {  	[sflag:s22] =	ssyncadd.s32 s4;
	_ =	sdelay $0x1  }
0xa1: {  	s23 =	simm.s32 $0x1B8B  }
0xa2: {  	_ =	swait.ge [sflag:s23], $0x1  }
0xa3: {  	[sflag:s23] =	ssyncset.done $0x0  }
0xa4: {  	s25 =	simm.s32 $0x1B8E;
	s24 =	sld [smem:$0x3FFE];
	[sflag:s23] =	ssyncadd.s32 $0xFFFFFFFF  }
0xa5: {  	s26 =	simm.s32 $execute0_lowered;
	[smem:$0x3FD2] =	sst s25  }
0xa6: {  	s5 =	sshll.u32 s26, $0x1;
	_ =	strace $0x80000046;
	[dreg:$0x1] =	wrdreg $0xFFFFFFFF  }
0xa7: {  	s28 =	simm.s32 $_size_execute0_lowered;
	s3 =	sadd.s32 s3, s5;
	[dreg:$0x0] =	wrdreg $0x0  }
0xa8: {  	s5 =	sshll.u32 s28, $0x1;
	[dreg:$0x2] =	wrdreg s3  }
0xa9: {  	[dreg:$0x3] =	wrdreg s5  }
0xaa: {  	[dreg:$0x4] =	wrdreg $0xC0  }
0xab: {  	_ =	task [dreg:s7], $0x5FFFF  }
0xac: {  	[dreg:$0x1] =	wrdreg $0xFFFFFFFF  }
0xad: {  	[dreg:$0x0] =	wrdreg $0x60  }
0xae: {  	[dreg:$0x2] =	wrdreg s24  }
0xaf: {  	[dreg:$0x3] =	wrdreg s2  }
0xb0: {  	[dreg:$0x4] =	wrdreg $0x9  }
0xb1: {  	_ =	task.clear_ibuf [dreg:s7], $0x5FFFF;
	_ =	strace $0x90000046  }
0xb2: {  	s29 =	simm.s32 $0x9;
	_ =	strace $0x80000048  }
0xb3: {  	_ =	swait.ge [sflag:s29], $0x1  }
0xb4: {  	[sflag:s29] =	ssyncadd.s32 $0xFFFFFFFF  }
0xb5: {  	_ =	strace $0x90000048  }
0xb6: {  	_ =	sfence  }
0xb7: {  	s30 =	sld [smem:$0x0];
	_ =	sdelay $0x2  }
0xb8: {  	s31 =	sshll.u32 s1, $0xD;
	s1 =	sshrl.u32 s1, $0x2  }
0xb9: {  	s3 =	sand.u32 $0x4000, s31;
	s1 =	sadd.s32 s1, s30  }
0xba: {  	s0 =	sor.u32 s3, s0;
	s1 =	sshll.u32 s1, $0x11  }
0xbb: {  	s0 =	sor.u32 s1, s0  }
0xbc: {  	s0 =	sadd.s32 $0x8F2B, s0  }
0xbd: {  	[sflag:s0] =	ssyncadd.remote.s32 $0x1  }
0xbe: {  	_ =	sfence.sel $0xFFFF  }
0xbf: {  	[dreg:$0x0] =	wrdreg $0xFFFFFFFF;
	(pc) =	sbr.abs _section_cstart, $3  }
0xc0: {  	[dreg:$0x1] =	wrdreg $0xFFFFFFFF  }
0xc1: {  	_ =	task.clear_ibuf [dreg:s7], $0x2FFFF;
	_ =	strace $0x9FFFFFFF  }
0xc2: {  	(tm) =	ssettm $0x7FFFFFFF  }
0xc3: {  	_ =	shalt  }
tec
execute0_lowered:
.L_overlay_start_1:
0x0: {  	(tag) =	ssettag $0x1  }
0x1: {  	v0 =	vimm.f32 $9.999510000e+05  }
0x2: {  	vm14 =	vcmask $0x300;
	vm11 =	vcmask $0x704;
	vm8 =	vcmask $0xB08  }
0x3: {  	vm5 =	vcmask $0xF0C;
	vm3 =	vcmask $0x1310;
	vm2 =	vcmask $0x1714  }
0x4: {  	vm4 =	vcmask $0x1B18;
	vm6 =	vcmask $0x1F1C;
	vm12 =	vcmask $0x2724  }
0x5: {  	s1 =	srdreg.scid;
	vm13 =	vcmask $0x2B28;
	vm10 =	vcmask $0x2F2C;
	vm7 =	vcmask $0x3330  }
0x6: {  	s0 =	stileid.u32;
	s3 =	rddreg [dreg:$0x0];
	s2 =	simm.s32 $0x0;
	v1 =	vimm.f32 $9.999670000e+05;
	v2 =	vimm.f32 $9.999830000e+05;
	v3 =	vimm.f32 $9.999990000e+05  }
0x7: {  	vm0 =	vcmask $0x3734;
	v0 =	vsel vm14, $0x49742000, v0;
	[smem:$0x7FF] =	sst s2;
	s8 =	smul.u32 $0xF420, s0;
	v1 =	vsel vm14, $0x49742100, v1  }
0x8: {  	s6 =	rddreg [dreg:$0x1];
	s7 =	sand.u32 $0x1, s1;
	s31 =	sshll.u32 s0, $0x1;
	v2 =	vsel vm14, $0x49742200, v2;
	v3 =	vsel vm14, $0x49742300, v3;
	v0 =	vsel vm11, $0x49742010, v0  }
0x9: {  	vm1 =	vcmask $0x3B38;
	s1 =	rddreg [dreg:$0x2];
	_ =	strace $0x80000047;
	s9 =	smul.u32 $0x7A10, s7;
	v1 =	vsel vm11, $0x49742110, v1  }
0xa: {  	s10 =	sor.u32 s7, s31;
	v2 =	vsel vm11, $0x49742210, v2;
	v3 =	vsel vm11, $0x49742310, v3;
	v0 =	vsel vm8, $0x49742020, v0  }
0xb: {  	s5 =	simm.s32 $0x7A80;
	s4 =	smul.u32 $0x7A10, s10;
	v1 =	vsel vm8, $0x49742120, v1;
	v2 =	vsel vm8, $0x49742220, v2  }
0xc: {  	vm9 =	vcmask $0x2320;
	v3 =	vsel vm8, $0x49742320, v3;
	s12 =	sshll.u32 s10, $0x4;
	p0 =	sne.s32 s10, $0x1F;
	s10 =	simm.s32 $0xF500;
	v0 =	vsel vm5, $0x49742030, v0  }
0xd: {  	v1 =	vsel vm5, $0x49742130, v1;
	v2 =	vsel vm5, $0x49742230, v2;
	v3 =	vsel vm5, $0x49742330, v3  }
0xe: {  	v0 =	vsel vm3, $0x49742040, v0;
	v1 =	vsel vm3, $0x49742140, v1;
	v2 =	vsel vm3, $0x49742240, v2  }
0xf: {  	v3 =	vsel vm3, $0x49742340, v3;
	v0 =	vsel vm2, $0x49742050, v0;
	v1 =	vsel vm2, $0x49742150, v1  }
0x10: {  	v2 =	vsel vm2, $0x49742250, v2;
	v3 =	vsel vm2, $0x49742350, v3;
	v0 =	vsel vm4, $0x49742060, v0  }
0x11: {  	v1 =	vsel vm4, $0x49742160, v1;
	v2 =	vsel vm4, $0x49742260, v2;
	v3 =	vsel vm4, $0x49742360, v3  }
0x12: {  	v0 =	vsel vm6, $0x49742070, v0;
	v1 =	vsel vm6, $0x49742170, v1;
	v2 =	vsel vm6, $0x49742270, v2  }
0x13: {  	v3 =	vsel vm6, $0x49742370, v3;
	v0 =	vsel vm9, $0x49742080, v0;
	v1 =	vsel vm9, $0x49742180, v1  }
0x14: {  	v2 =	vsel vm9, $0x49742280, v2;
	v3 =	vsel vm9, $0x49742380, v3;
	v0 =	vsel vm12, $0x49742090, v0  }
0x15: {  	v1 =	vsel vm12, $0x49742190, v1;
	v2 =	vsel vm12, $0x49742290, v2;
	v3 =	vsel vm12, $0x49742390, v3  }
0x16: {  	v0 =	vsel vm13, $0x497420A0, v0;
	v1 =	vsel vm13, $0x497421A0, v1;
	v2 =	vsel vm13, $0x497422A0, v2  }
0x17: {  	v3 =	vsel vm13, $0x497423A0, v3;
	v0 =	vsel vm10, $0x497420B0, v0;
	v1 =	vsel vm10, $0x497421B0, v1  }
0x18: {  	s7 =	ssub.s32 $0x2, s7;
	v2 =	vsel vm10, $0x497422B0, v2;
	v3 =	vsel vm10, $0x497423B0, v3;
	v0 =	vsel vm7, $0x497420C0, v0  }
0x19: {  	s11 =	sshrl.u32 s7, $0x1;
	s4 =	sshrl.u32 s4, $0x3;
	v1 =	vsel vm7, $0x497421C0, v1;
	v2 =	vsel vm7, $0x497422C0, v2;
	v3 =	vsel vm7, $0x497423C0, v3  }
0x1a: {  	s7 =	ssub.s32 s7, s11;
	s6 =	sadd.s32 s6, s12;
	s4 =	sadd.s32 s4, s3;
	v0 =	vsel vm0, $0x497420D0, v0;
	v1 =	vsel vm0, $0x497421D0, v1;
	v4 =	vsel vm0, $0x497422D0, v2  }
0x1b: {  	s8 =	sadd.s32 s9, s8;
	s3 =	sadd.s32 $0x1F000, s4;
	s4 =	sadd.s32 $0x600, s4;
	v5 =	vsel vm0, $0x497423D0, v3;
	v2 =	vlaneseq.u32;
	v0 =	vsel vm1, $0x497420E0, v0  }
0x1c: {  	s9 =	simm.s32 $0x1;
	s11 =	simm.s32 $0x0;
	s7 =	smax.u32 s7, $0x1;
	v1 =	vsel vm1, $0x497421E0, v1;
	v3 =	vsel vm1, $0x497422E0, v4;
	v4 =	vsel vm1, $0x497423E0, v5  }
.LBB2_1:
0x1d: {  	[tilespmem:s2], [sflag:$0x1] =	stream.linear.gather [hbm4b:s3+s2], $0x7A50, $0x38;
	[tilespmem:$0xF580] =	vst v63  }
0x1e: {  	_ =	swait.ge [sflag:s9], $0x7A50  }
0x1f: {  	[sflag:s9] =	ssyncset.done $0x0  }
0x20: {  	[sflag:s9] =	ssyncadd.s32 $0xFFFF85B0  }
0x21: {  	[tilespmem:s5], [sflag:$0x1] =	stream.linear.gather [hbm4b:s4+s2], $0x7A50, $0x38;
	[tilespmem:$0xF580] =	vst v63  }
0x22: {  	_ =	swait.ge [sflag:s9], $0x7A50  }
0x23: {  	[sflag:s9] =	ssyncset.done $0x0  }
0x24: {  	s12 =	simm.s32 $0x7A90;
	[sflag:s9] =	ssyncadd.s32 $0xFFFF85B0  }
0x25: {  	v5 =	vld [tilespmem:s12+$0xFFFFFFF0]  }
0x26: {  	v7 =	vld [tilespmem:s12+$0x0]  }
0x27: {  	s13 =	simm.s32 $0x10;
	v8 =	vld [tilespmem:s12+$0x10]  }
0x28: {  	v14 =	vld [tilespmem:s13+$0x10]  }
0x29: {  	v15 =	vld [tilespmem:s13+$0x0]  }
0x2a: {  	v10 =	vld [tilespmem:s13+$0xFFFFFFF0];
	_ =	sdelay $0x1  }
0x2b: {  	v13 =	vimm.f32 $-Inf;
	v6 =	vimm.f32 $0.0e+00;
	v17 =	vimm.s32 $0x40000000;
	s29 =	sadd.s32 $0x10, s8;
	s30 =	sadd.s32 $0x20, s8  }
0x2c: {  	v16 =	vor.u32 s8, v2;
	v18 =	vor.u32 s29, v2;
	v24 =	vor.u32 s30, v2  }
0x2d: {  	s14 =	simm.s32 $0x7AC0;
	v9 =	vmul.f32 $1.442695020e+00, v14;
	v8 =	vadd.f32 v8, v14;
	v7 =	vadd.f32 v7, v15  }
0x2e: {  	v22 =	vld [tilespmem:s14+$0x10];
	v11 =	vmul.f32 $1.442695020e+00, v15;
	v19 =	vadd.f32 v5, v10;
	v20 =	vmul.f32 $1.442695020e+00, v10  }
0x2f: {  	v27 =	vld [tilespmem:s14+$0xFFFFFFF0];
	(erf) = vpow2.f32 v9;
	v9 =	vmax.f32 v7, v13;
	v12 =	vmax.f32 v8, v13  }
0x30: {  	s12 =	simm.s32 $0x40;
	v21 =	vld [tilespmem:s14+$0x0];
	vm0 =	vgt.f32 v19, v13;
	vm1 =	vgt.f32 v7, v13;
	(erf) = vpow2.f32 v11  }
0x31: {  	v5 =	vld [tilespmem:s12+$0x10];
	vm2 =	vgt.f32 v8, v13;
	v11 =	vmax.f32 v19, v13;
	(erf) = vpow2.f32 v20  }
0x32: {  	v23 =	vld [tilespmem:s12+$0x0];
	v13 =	vsel vm0, v10, v6;
	v10 =	vsel vm0, v16, v17;
	v8 =	vsel vm1, v15, v6  }
0x33: {  	s13 =	sadd.s32 $0x30, s8;
	v15 =	vsel vm1, v18, v17;
	v7 =	vsel vm2, v14, v6;
	v14 =	vsel vm2, v24, v17;
	v17 =	vld [tilespmem:s12+$0xFFFFFFF0]  }
0x34: {  	s31 =	sadd.s32 $0x10, s13  }
0x35: {  	v16 =	vor.u32 s13, v2;
	v18 =	vor.u32 s31, v2;
	v26 =	vmovc v12;
	v19 =	vimm.f32 $0.0e+00  }
0x36: {  	s15 =	simm.s32 $0x7AF0;
	s14 =	simm.s32 $0x3;
	s16 =	sadd.s32 $0x20, s13;
	v25 =	vmovc v11;
	v20 =	vimm.f32 $0.0e+00;
	v24 =	vadd.f32 v22, v5;
	v28 =	vmul.f32 $1.442695020e+00, v5;
	v22 =	vmovc v9  }
.LBB2_2:
0x37: {  	v29 =	vld [tilespmem:s15+$0xFFFFFFF0];
	v30 =	vadd.f32 v21, v23;
	v31 =	vmul.f32 $1.442695020e+00, v23;
	v32 =	vor.u32 s16, v2;
	v33 =	vmovc v23  }
0x38: {  	v21 =	vld [tilespmem:s15+$0x0];
	v27 =	vadd.f32 v27, v17;
	v23 =	vmul.f32 $1.442695020e+00, v17;
	(erf) = vpow2.f32 v28;
	v28 =	vpop (erf)  }
0x39: {  	s12 =	sadd.s32 $0x30, s12;
	s14 =	sadd.s32 $0x3, s14;
	v34 =	vld [tilespmem:s15+$0x10];
	v9 =	vmax.f32 v30, v9;
	(erf) = vpow2.f32 v31;
	v6 =	vadd.f32 v28, v6;
	v28 =	vpop (erf)  }
0x3a: {  	v12 =	vmax.f32 v24, v12;
	p1 =	slt.u32 s14, $0x79E;
	v31 =	vld [tilespmem:s12+$0x10];
	v11 =	vmax.f32 v27, v11;
	(erf) = vpow2.f32 v23;
	v35 =	vpop (erf)  }
.Ltmp0:
0x3b: {  	vm2 =	vgt.f32 v24, v26;
	vm1 =	vgt.f32 v30, v22;
	vm0 =	vgt.f32 v27, v25;
	v22 =	vmovc v9;
	v23 =	vld [tilespmem:s12+$0x0];
	(pc) =	sbr.rel @p1 .LBB2_2-.Ltmp0, $4  }
0x3c: {  	v20 =	vadd.f32 v28, v20;
	v13 =	vsel vm0, v17, v13;
	v19 =	vadd.f32 v35, v19;
	v17 =	vld [tilespmem:s12+$0xFFFFFFF0];
	v27 =	vmovc v29  }
0x3d: {  	s13 =	sadd.s32 $0x30, s13;
	v8 =	vsel vm1, v33, v8;
	v15 =	vsel vm1, v18, v15;
	v10 =	vsel vm0, v16, v10;
	v25 =	vmovc v11  }
0x3e: {  	s16 =	sadd.s32 $0x10, s13;
	v7 =	vsel vm2, v5, v7;
	v14 =	vsel vm2, v32, v14;
	v26 =	vmovc v12;
	v16 =	vor.u32 s13, v2  }
0x3f: {  	s15 =	sadd.s32 $0x30, s15;
	v18 =	vor.u32 s16, v2;
	s16 =	sadd.s32 $0x20, s13;
	v24 =	vadd.f32 v34, v31;
	v28 =	vmul.f32 $1.442695020e+00, v31;
	v5 =	vmovc v31  }
0x40: {  	v29 =	vmul.f32 $1.442695020e+00, v23  }
0x41: {  	v30 =	vmul.f32 $1.442695020e+00, v17;
	(erf) = vpow2.f32 v28  }
0x42: {  	(erf) = vpow2.f32 v29  }
0x43: {  	(erf) = vpow2.f32 v30  }
0x44: {  	v21 =	vadd.f32 v21, v23  }
0x45: {  	v55 =	vor.u32 s16, v2;
	v27 =	vadd.f32 v27, v17;
	v54 =	vpop (erf);
	v12 =	vmax.f32 v24, v12  }
0x46: {  	vm2 =	vgt.f32 v24, v26;
	v9 =	vmax.f32 v21, v9;
	v6 =	vadd.f32 v54, v6  }
0x47: {  	v56 =	vpop (erf);
	vm1 =	vgt.f32 v21, v22;
	v14 =	vsel vm2, v55, v14;
	v5 =	vsel vm2, v5, v7  }
0x48: {  	v11 =	vmax.f32 v27, v11;
	vm0 =	vgt.f32 v27, v25;
	v59 =	vadd.f32 v56, v20  }
0x49: {  	v57 =	vpop (erf);
	v15 =	vsel vm1, v18, v15;
	v13 =	vsel vm0, v17, v13;
	v10 =	vsel vm0, v16, v10  }
0x4a: {  	v58 =	vadd.f32 v57, v19;
	vm10 =	veq.f32 v9, v11;
	vm11 =	vlt.s32 v15, v10;
	v60 =	vpop (erf)  }
0x4b: {  	vm3 =	vgt.f32 v9, v11;
	v9 =	vmax.f32 v11, v9;
	vm0 =	vmand vm10, vm11;
	v61 =	vpop (erf)  }
0x4c: {  	v8 =	vsel vm1, v23, v8;
	vm12 =	veq.f32 v12, v9;
	vm0 =	vmor vm3, vm0;
	v62 =	vpop (erf)  }
0x4d: {  	v10 =	vsel vm0, v15, v10;
	v18 =	vadd.f32 v61, v59;
	v17 =	vadd.f32 v62, v58  }
0x4e: {  	vm14 =	vgt.f32 v12, v9;
	v7 =	vmax.f32 v9, v12;
	vm13 =	vlt.s32 v14, v10  }
0x4f: {  	v9 =	vld @!p0 [tilespmem:$0x7A10];
	vm1 =	vmand vm12, vm13;
	v6 =	vadd.f32 v60, v6;
	v63 =	vadd.f32 v18, v17  }
0x50: {  	v13 =	vsel vm0, v8, v13;
	vm15 =	vmor vm14, vm1  }
0x51: {  	v8 =	vadd.f32 v6, v63;
	v6 =	vsel vm15, v5, v13;
	v5 =	vsel vm15, v14, v10;
	v10 =	vld @!p0 [tilespmem:$0x7A20];
	_ =	sdelay $0x1  }
0x52: {  	v11 =	vld @!p0 [tilespmem:$0x7A30]  }
0x53: {  	v12 =	vmul.f32 @!p0 $1.442695020e+00, v9  }
0x54: {  	v13 =	vld @!p0 [tilespmem:$0x7A40]  }
0x55: {  	(erf) = vpow2.f32 @!p0 v12;
	v12 =	vmul.f32 @!p0 $1.442695020e+00, v10;
	_ =	sdelay $0x1  }
0x56: {  	(erf) = vpow2.f32 @!p0 v12;
	v12 =	vmul.f32 @!p0 $1.442695020e+00, v11  }
0x57: {  	v14 =	vld @!p0 [tilespmem:$0xF490]  }
0x58: {  	(erf) = vpow2.f32 @!p0 v12;
	v12 =	vmul.f32 @!p0 $1.442695020e+00, v13;
	_ =	sdelay $0x1  }
0x59: {  	(erf) = vpow2.f32 @!p0 v12;
	v12 =	vld @!p0 [tilespmem:$0xF4A0];
	_ =	sdelay $0x1  }
0x5a: {  	v16 =	vld @!p0 [tilespmem:$0xF4B0];
	[tilespmem:$0xF510] =	vst @p0 v7;
	v5 =	vcvt.s32.f32 @p0 v5;
	v14 =	vadd.f32 @!p0 v14, v9  }
0x5b: {  	[tilespmem:$0xF520] =	vst @p0 v6;
	v15 =	vpop @!p0 (erf)  }
0x5c: {  	[tilespmem:$0xF500] =	vst @p0 v8;
	v5 =	vcvt.s32.f32 @!p0 v5;
	v8 =	vadd.f32 @!p0 v15, v8;
	vm0 =	vgt.f32 @!p0 v14, v7  }
0x5d: {  	v17 =	vld @!p0 [tilespmem:$0xF4C0];
	v7 =	vmax.f32 @!p0 v14, v7;
	v6 =	vsel @!p0 vm0, v9, v6;
	v15 =	vpop @!p0 (erf);
	v12 =	vadd.f32 @!p0 v12, v10  }
0x5e: {  	v5 =	vsel @!p0 vm0, v0, v5;
	v8 =	vadd.f32 @!p0 v15, v8  }
0x5f: {  	v9 =	vadd.f32 @!p0 v16, v11;
	v15 =	vpop @!p0 (erf);
	vm1 =	vgt.f32 @!p0 v12, v7;
	v7 =	vmax.f32 @!p0 v12, v7  }
0x60: {  	v8 =	vadd.f32 @!p0 v15, v8;
	v6 =	vsel @!p0 vm1, v10, v6  }
0x61: {  	vm2 =	vgt.f32 @!p0 v9, v7;
	v7 =	vmax.f32 @!p0 v9, v7;
	v10 =	vpop @!p0 (erf)  }
0x62: {  	v8 =	vadd.f32 @!p0 v10, v8;
	v10 =	vadd.f32 @!p0 v17, v13  }
0x63: {  	v5 =	vsel @!p0 vm1, v1, v5;
	v6 =	vsel @!p0 vm2, v11, v6  }
0x64: {  	vm0 =	vgt.f32 @!p0 v10, v7;
	v7 =	vmax.f32 @!p0 v10, v7;
	[tilespmem:$0xF500] =	vst @!p0 v8  }
0x65: {  	s11 =	sadd.s32 $0x1, s11;
	v5 =	vsel @!p0 vm2, v3, v5;
	v6 =	vsel @!p0 vm0, v13, v6;
	[tilespmem:$0xF510] =	vst @!p0 v7  }
0x66: {  	p1 =	sne.s32 s11, s7;
	v5 =	vsel @!p0 vm0, v4, v5;
	[tilespmem:$0xF520] =	vst @!p0 v6  }
.Ltmp1:
0x67: {  	[tilespmem:$0xF530] =	vst v5;
	(pc) =	sbr.rel @p1 .LBB2_1-.Ltmp1, $4  }
0x68: {  	[hbm4b:s6+s2] =	stream.linear.scatter [tilespmem:s10], [sflag:$0x1], $0x80, $0x38;
	[tilespmem:$0xF580] =	vst v63  }
0x69: {  	_ =	swait.ge [sflag:s9], $0x80  }
0x6a: {  	[sflag:s9] =	ssyncset.done $0x0  }
0x6b: {  	[sflag:s9] =	ssyncadd.s32 $0xFFFFFF80  }
0x6c: {  	_ =	sfence.sel $0x180000  }
0x6d: {  	[bflag:$0x0] =	sbarrier.arrive $0xFFFF  }
0x6e: {  	p0 =	sne.s32 s0, $0x0;
	_ =	strace $0x90000047  }
0x6f: {  	s0 =	sadd.s32 @!p0 $0x100000, s1;
	[bflag:$0x2] =	sbarrier.arrive $0xFFFF  }
0x70: {  	[sflag:s0] =	ssyncadd.tile.s32 @!p0 $0x1;
	_ =	shalt  }
.Lfunc_end2:
_tile_overlayer_lowered:
.L_overlay_start_2:
0x71: {  	(tag) =	ssettag $0x2  }
0x72: {  	s0 =	rddreg [dreg:$0x0];
	s2 =	stileid.u32  }
0x73: {  	s1 =	rddreg [dreg:$0x1];
	p0 =	sne.s32 s2, $0x0  }
0x74: {  	s3 =	rddreg [dreg:$0x2];
	[bflag:$0x3] =	sbarrier.arrive $0xFFFF;
	s2 =	simm.s32 @!p0 $0x1C01  }
0x75: {  	[timem:s3], [sflag:s2] =	dma.local @!p0 [hbm:s0], s1  }
0x76: {  	s0 =	simm.s32 @!p0 $0x1  }
0x77: {  	_ =	swait.ge @!p0 [sflag:s0], s1  }
0x78: {  	s1 =	ssub.s32 @!p0 $0x0, s1;
	[sflag:s0] =	ssyncset.done @!p0 $0x0  }
0x79: {  	[sflag:s0] =	ssyncadd.s32 @!p0 s1  }
0x7a: {  	[bflag:$0x3] =	sbarrier.arrive $0xFFFF  }
0x7b: {  	_ =	shalt  }

</sc_bundles>
